<compile_context>
chip_gen: v7x
topology: tpu7x:2x2x1
jax: 0.10.2.dev20260603
libtpu: 0.0.44.dev20260713+nightly
codegen_flags: <defaults>
</compile_context>

<pallas_src>
import functools

import jax
import jax.numpy as jnp
from jax import lax
from jax.experimental import pallas as pl
from jax.experimental.pallas import tpu as pltpu
from jax.experimental.pallas import tpu_sc as plsc

_HB = 1


def _gather_sc(W, idx):
    info = plsc.get_sparse_core_info()
    nw = info.num_cores * info.num_subcores
    b = idx.shape[0]
    d = W.shape[1]
    b_per_w = b // nw
    smesh = plsc.VectorSubcoreMesh(core_axis_name="c", subcore_axis_name="s")

    @functools.partial(
        pl.kernel,
        mesh=smesh,
        out_type=jax.ShapeDtypeStruct((b, d), jnp.float32),
        scratch_types=[
            pltpu.VMEM((b_per_w,), jnp.int32),
            pltpu.VMEM((b_per_w, d), jnp.float32),
            pltpu.SemaphoreType.DMA,
        ],
    )
    def gat(table_hbm, idx_hbm, out_hbm, idx_v, rows_v, sem):
        wid = lax.axis_index("s") * info.num_cores + lax.axis_index("c")
        base = wid * b_per_w
        pltpu.sync_copy(idx_hbm.at[pl.ds(base, b_per_w)], idx_v)
        pltpu.async_copy(table_hbm.at[idx_v], rows_v, sem).wait()
        pltpu.sync_copy(rows_v, out_hbm.at[pl.ds(base, b_per_w)])

    return gat(W, idx)


def _assemble_body(x_ref, e_ref, out_ref):
    c = pl.program_id(1)

    @pl.when(c < 3)
    def _():
        out_ref[...] = x_ref[...]

    @pl.when(c == 3)
    def _():
        out_ref[0, 0] = e_ref[...]


def kernel(x, id, W):
    b, c, s, h, _ = x.shape
    hb = h // _HB
    rows = _gather_sc(W, id)
    emb3 = jnp.transpose(rows.reshape(b, h, h), (1, 2, 0))
    x_t = jnp.transpose(x, (1, 2, 3, 4, 0))
    out_t = pl.pallas_call(
        _assemble_body,
        grid=(_HB, c + 1, s),
        in_specs=[
            pl.BlockSpec(
                (1, 1, hb, h, b),
                lambda i, k, j: (
                    jnp.minimum(k, 2),
                    jnp.where(k < 3, j, s - 1),
                    i,
                    0,
                    0,
                ),
            ),
            pl.BlockSpec((hb, h, b), lambda i, k, j: (i, 0, 0)),
        ],
        out_specs=pl.BlockSpec(
            (1, 1, hb, h, b), lambda i, k, j: (k, j, i, 0, 0)
        ),
        out_shape=jax.ShapeDtypeStruct((c + 1, s, h, h, b), x.dtype),
    )(x_t, emb3)
    return jnp.transpose(out_t, (4, 0, 1, 2, 3))

# --- scband reference (transcript-rebuilt; emitter-appended) ---
"""Pipeline reference for scband-image-embedding-36378372997317 (READ-ONLY COPY).

The authoritative reference and input builder live on the scoring server;
editing this copy changes nothing except your own understanding.
"""

import jax, jax.numpy as jnp
import numpy as np

NUM_EMBEDDINGS = 10000
SEQUENCE_LENGTH = 12
IMAGE_SIZE_PIXELS = 64
BATCH = 512
CHANNELS = 3


def setup_inputs(seed: int = 0) -> dict:
    key = jax.random.key(seed)
    k_x, k_id, k_w = jax.random.split(key, 3)
    x = jax.random.normal(k_x, (BATCH, CHANNELS, SEQUENCE_LENGTH, IMAGE_SIZE_PIXELS, IMAGE_SIZE_PIXELS), dtype=jnp.float32)
    idx = jax.random.randint(k_id, (BATCH,), 0, NUM_EMBEDDINGS, dtype=jnp.int64 if jax.config.jax_enable_x64 else jnp.int32)
    # nn.Embedding default init: N(0, 1)
    W = jax.random.normal(k_w, (NUM_EMBEDDINGS, IMAGE_SIZE_PIXELS * IMAGE_SIZE_PIXELS), dtype=jnp.float32)
    return {"x": x, "id": idx, "W": W}


def reference(x, id, W):
    # emb = self._embed(id)
    emb = jnp.take(W, id, axis=0)
    # emb = emb.reshape((-1, 1, 1, H, H))
    emb = emb.reshape((-1, 1, 1, IMAGE_SIZE_PIXELS, IMAGE_SIZE_PIXELS))
    # emb = emb.repeat(1, 1, sequence_length, 1, 1)
    emb = jnp.tile(emb, (1, 1, SEQUENCE_LENGTH, 1, 1))
    # torch.cat((x, emb), dim=1)
    return jnp.concatenate((x, emb), axis=1)

if __name__ == "__main__":
    import jax
    _d = setup_inputs()
    print(jax.jit(kernel)(*tuple(_d.values())))

</pallas_src>

<mosaic_0001>
#map = affine_map<(d0, d1) -> (0, 0)>
#map1 = affine_map<(d0, d1) -> (0)>
module attributes {stable_mosaic.version = 14 : i64} {
  func.func @gat(%arg0: i32, %arg1: i32, %arg2: memref<10000x4096xf32, #tpu.memory_space<hbm>>, %arg3: memref<512xi32, #tpu.memory_space<hbm>>, %arg4: memref<512x4096xf32, #tpu.memory_space<hbm>>, %arg5: memref<16xi32, #tpu.memory_space<vmem>>, %arg6: memref<16x4096xf32, #tpu.memory_space<vmem>>, %arg7: memref<!tpu.dma_semaphore, #tpu.memory_space<semaphore_mem>>) attributes {dimension_semantics = [#tpu.dimension_semantics<core_parallel>, #tpu.dimension_semantics<subcore_parallel>], iteration_bounds = array<i64: 2, 16>, scalar_prefetch = 0 : i64, scratch_operands = 3 : i64, tpu.core_type = #tpu.core_type<sc_vector_subcore>, window_params = [{transform_indices = #map}, {transform_indices = #map1}, {transform_indices = #map}]} {
    %mul3A = arith.constant 2 : i32
    %mul3A_0 = arith.muli %arg1, %mul3A : i32
    %add3A = arith.addi %mul3A_0, %arg0 : i32
    %mul3A_1 = arith.constant 16 : i32
    %mul3A_2 = arith.muli %add3A, %mul3A_1 : i32
    "tpu.region"() ({
      %run_scoped3A = tpu.sem_alloc : memref<!tpu.dma_semaphore, #tpu.memory_space<semaphore_mem>>
      %dma_start3A_7 = tpu.memref_slice %arg3[%mul3A_2] : memref<512xi32, #tpu.memory_space<hbm>> -> memref<16xi32, #tpu.memory_space<hbm>>
      %dma_start3A_8 = tpu.memref_slice %arg3[%mul3A_2] : memref<512xi32, #tpu.memory_space<hbm>> -> memref<16xi32, #tpu.memory_space<hbm>>
      tpu.enqueue_dma source(%dma_start3A_8 : memref<16xi32, #tpu.memory_space<hbm>>) target(%arg5 : memref<16xi32, #tpu.memory_space<vmem>>) target_semaphore(%run_scoped3A : memref<!tpu.dma_semaphore, #tpu.memory_space<semaphore_mem>>)
      %dma_wait3A_9 = tpu.memref_slice %arg3[%mul3A_2] : memref<512xi32, #tpu.memory_space<hbm>> -> memref<16xi32, #tpu.memory_space<hbm>>
      %dma_wait3A_10 = tpu.memref_slice %arg3[%mul3A_2] : memref<512xi32, #tpu.memory_space<hbm>> -> memref<16xi32, #tpu.memory_space<hbm>>
      tpu.wait_dma2 semaphore(%run_scoped3A : memref<!tpu.dma_semaphore, #tpu.memory_space<semaphore_mem>>) src(%dma_wait3A_10 : memref<16xi32, #tpu.memory_space<hbm>>) dst(%arg5 : memref<16xi32, #tpu.memory_space<vmem>>)
      tpu.yield
    }) : () -> ()
    %dma_start3A = arith.constant 0 : i32
    %dma_start3A_3 = arith.constant 0 : i32
    %dma_start3A_4 = tpu.memref_slice %arg2[%dma_start3A, %dma_start3A_3] : memref<10000x4096xf32, #tpu.memory_space<hbm>> -> memref<10000x4096xf32, #tpu.memory_space<hbm>>
    tpu.enqueue_indirect_dma source(%dma_start3A_4 : memref<10000x4096xf32, #tpu.memory_space<hbm>>) target(%arg6 : memref<16x4096xf32, #tpu.memory_space<vmem>>) offsets(%arg5 : memref<16xi32, #tpu.memory_space<vmem>>) semaphore(%arg7 : memref<!tpu.dma_semaphore, #tpu.memory_space<semaphore_mem>>)
    %dma_wait3A = arith.constant 0 : i32
    %dma_wait3A_5 = arith.constant 0 : i32
    %dma_wait3A_6 = tpu.memref_slice %arg2[%dma_wait3A, %dma_wait3A_5] : memref<10000x4096xf32, #tpu.memory_space<hbm>> -> memref<10000x4096xf32, #tpu.memory_space<hbm>>
    tpu.wait_indirect_dma semaphore(%arg7 : memref<!tpu.dma_semaphore, #tpu.memory_space<semaphore_mem>>) src(%dma_wait3A_6 : memref<10000x4096xf32, #tpu.memory_space<hbm>>) dst(%arg6 : memref<16x4096xf32, #tpu.memory_space<vmem>>)
    "tpu.region"() ({
      %run_scoped3A = tpu.sem_alloc : memref<!tpu.dma_semaphore, #tpu.memory_space<semaphore_mem>>
      %dma_start3A_7 = arith.constant 0 : i32
      %dma_start3A_8 = tpu.memref_slice %arg4[%mul3A_2, %dma_start3A_7] : memref<512x4096xf32, #tpu.memory_space<hbm>> -> memref<16x4096xf32, #tpu.memory_space<hbm>>
      %dma_start3A_9 = arith.constant 0 : i32
      %dma_start3A_10 = tpu.memref_slice %arg4[%mul3A_2, %dma_start3A_9] : memref<512x4096xf32, #tpu.memory_space<hbm>> -> memref<16x4096xf32, #tpu.memory_space<hbm>>
      tpu.enqueue_dma source(%arg6 : memref<16x4096xf32, #tpu.memory_space<vmem>>) target(%dma_start3A_10 : memref<16x4096xf32, #tpu.memory_space<hbm>>) target_semaphore(%run_scoped3A : memref<!tpu.dma_semaphore, #tpu.memory_space<semaphore_mem>>)
      %dma_wait3A_11 = arith.constant 0 : i32
      %dma_wait3A_12 = tpu.memref_slice %arg4[%mul3A_2, %dma_wait3A_11] : memref<512x4096xf32, #tpu.memory_space<hbm>> -> memref<16x4096xf32, #tpu.memory_space<hbm>>
      %dma_wait3A_13 = arith.constant 0 : i32
      %dma_wait3A_14 = tpu.memref_slice %arg4[%mul3A_2, %dma_wait3A_13] : memref<512x4096xf32, #tpu.memory_space<hbm>> -> memref<16x4096xf32, #tpu.memory_space<hbm>>
      tpu.wait_dma2 semaphore(%run_scoped3A : memref<!tpu.dma_semaphore, #tpu.memory_space<semaphore_mem>>) src(%arg6 : memref<16x4096xf32, #tpu.memory_space<vmem>>) dst(%dma_wait3A_14 : memref<16x4096xf32, #tpu.memory_space<hbm>>)
      tpu.yield
    }) : () -> ()
    return
  }
}

module attributes {stable_mosaic.version = 14 : i64} {
  func.func @_assemble_body(%arg0: i32, %arg1: i32, %arg2: i32, %arg3: memref<1x1x64x64x512xf32, #tpu.memory_space<vmem>>, %arg4: memref<64x64x512xf32, #tpu.memory_space<vmem>>, %arg5: memref<1x1x64x64x512xf32, #tpu.memory_space<vmem>>) attributes {dimension_semantics = [#tpu.dimension_semantics<arbitrary>, #tpu.dimension_semantics<arbitrary>, #tpu.dimension_semantics<arbitrary>], iteration_bounds = array<i64: 1, 4, 12>, scalar_prefetch = 0 : i64, scratch_operands = 0 : i64, tpu.core_type = #tpu.core_type<tc>, window_params = [{transform_indices = @transform_0, window_bounds = array<i64: 1, 1, 64, 64, 512>}, {transform_indices = @transform_1, window_bounds = array<i64: 64, 64, 512>}, {transform_indices = @transform_2, window_bounds = array<i64: 1, 1, 64, 64, 512>}]} {
    %lt3A = arith.constant 3 : i32
    %lt3A_0 = arith.cmpi slt, %arg1, %lt3A : i32
    %convert_element_type3A = arith.extui %lt3A_0 : i1 to i32
    %cond3A = arith.constant 0 : i32
    %cond3A_1 = arith.cmpi ne, %convert_element_type3A, %cond3A : i32
    scf.if %cond3A_1 {
      %get3A = arith.constant 0 : index
      %get3A_6 = arith.constant 0 : index
      %get3A_7 = arith.constant 0 : index
      %get3A_8 = arith.constant 0 : index
      %get3A_9 = arith.constant 0 : index
      %get3A_10 = vector.load %arg3[%get3A, %get3A_6, %get3A_7, %get3A_8, %get3A_9] : memref<1x1x64x64x512xf32, #tpu.memory_space<vmem>>, vector<1x1x64x64x512xf32>
      %swap3A = arith.constant 0 : index
      %swap3A_11 = arith.constant 0 : index
      %swap3A_12 = arith.constant 0 : index
      %swap3A_13 = arith.constant 0 : index
      %swap3A_14 = arith.constant 0 : index
      %swap3A_15 = vector.load %arg5[%swap3A, %swap3A_11, %swap3A_12, %swap3A_13, %swap3A_14] : memref<1x1x64x64x512xf32, #tpu.memory_space<vmem>>, vector<1x1x64x64x512xf32>
      tpu.vector_store %arg5[%swap3A, %swap3A_11, %swap3A_12, %swap3A_13, %swap3A_14], %get3A_10 {strides = array<i32>} : memref<1x1x64x64x512xf32, #tpu.memory_space<vmem>>, vector<1x1x64x64x512xf32>,
    } else {
    }
    %eq3A = arith.constant 3 : i32
    %eq3A_2 = arith.cmpi eq, %arg1, %eq3A : i32
    %convert_element_type3A_3 = arith.extui %eq3A_2 : i1 to i32
    %cond3A_4 = arith.constant 0 : i32
    %cond3A_5 = arith.cmpi ne, %convert_element_type3A_3, %cond3A_4 : i32
    scf.if %cond3A_5 {
      %get3A = arith.constant 0 : index
      %get3A_6 = arith.constant 0 : index
      %get3A_7 = arith.constant 0 : index
      %get3A_8 = vector.load %arg4[%get3A, %get3A_6, %get3A_7] : memref<64x64x512xf32, #tpu.memory_space<vmem>>, vector<64x64x512xf32>
      %swap3A = arith.constant 0 : index
      %swap3A_9 = arith.constant 0 : index
      %swap3A_10 = arith.constant 0 : index
      %swap3A_11 = arith.constant 0 : index
      %swap3A_12 = arith.constant 0 : index
      %swap3A_13 = vector.load %arg5[%swap3A, %swap3A_9, %swap3A_10, %swap3A_11, %swap3A_12] : memref<1x1x64x64x512xf32, #tpu.memory_space<vmem>>, vector<1x1x64x64x512xf32>
      %swap3A_14 = vector.shape_cast %swap3A_13 : vector<1x1x64x64x512xf32> to vector<64x64x512xf32>
      %swap3A_15 = vector.shape_cast %get3A_8 : vector<64x64x512xf32> to vector<1x1x64x64x512xf32>
      tpu.vector_store %arg5[%swap3A, %swap3A_9, %swap3A_10, %swap3A_11, %swap3A_12], %swap3A_15 {strides = array<i32>} : memref<1x1x64x64x512xf32, #tpu.memory_space<vmem>>, vector<1x1x64x64x512xf32>,
    } else {
    }
    return
  }
  func.func @transform_0(%arg0: i32, %arg1: i32, %arg2: i32) -> (i32, i32, i32, i32, i32) {
    %min3A = arith.constant 2 : i32
    %min3A_0 = arith.minsi %arg1, %min3A : i32
    %lt3A = arith.constant 3 : i32
    %lt3A_1 = arith.cmpi slt, %arg1, %lt3A : i32
    %jit3A = arith.constant 11 : i32
    %select_n3A = arith.select %lt3A_1, %arg2, %jit3A : i32
    %c0_i32 = arith.constant 0 : i32
    %c0_i32_2 = arith.constant 0 : i32
    %c0_i32_3 = arith.constant 0 : i32
    return %min3A_0, %select_n3A, %arg0, %c0_i32, %c0_i32_2 : i32, i32, i32, i32, i32
  }
  func.func @transform_1(%arg0: i32, %arg1: i32, %arg2: i32) -> (i32, i32, i32) {
    %c0_i32 = arith.constant 0 : i32
    %c0_i32_0 = arith.constant 0 : i32
    %c0_i32_1 = arith.constant 0 : i32
    return %arg0, %c0_i32, %c0_i32_0 : i32, i32, i32
  }
  func.func @transform_2(%arg0: i32, %arg1: i32, %arg2: i32) -> (i32, i32, i32, i32, i32) {
    %c0_i32 = arith.constant 0 : i32
    %c0_i32_0 = arith.constant 0 : i32
    %c0_i32_1 = arith.constant 0 : i32
    return %arg1, %arg2, %arg0, %c0_i32, %c0_i32_0 : i32, i32, i32, i32, i32
  }
}

</mosaic_0001>

<sc_bundles>
// kernel: kernel.4.cloned.1.call-start
scs
__scs_entry_jumppad:
0x0: {  	(pc) =	sbr.rel $0x88, $3  }
0x1: {  	(tag) =	ssettag $0x0;
	lr =	simm.s32 $0x1  }
0x2: {  	[smem:$0x3F9E] =	sst lr;
	_ =	strace $0xD0000000  }
0x3: {  	_ = 	snop  }
0x4: {  	_ = 	snop  }
0x5: {  	_ = 	snop  }
0x6: {  	_ = 	snop  }
0x7: {  	_ = 	snop  }
__scs_overlays_trampoline_lowered:
0x8: {  	[smem:$0x3FAD] =	sst s0  }
0x9: {  	[smem:$0x3FAE] =	sst s1  }
0xa: {  	[smem:$0x3FAF] =	sst s2  }
0xb: {  	[smem:$0x3FB0] =	sst s3  }
0xc: {  	[smem:$0x3FB1] =	sst s4  }
0xd: {  	[smem:$0x3FB2] =	sst s5  }
0xe: {  	[smem:$0x3FB3] =	sst s6  }
0xf: {  	[smem:$0x3FB4] =	sst s7  }
0x10: {  	[smem:$0x3FB5] =	sst s8  }
0x11: {  	[smem:$0x3FB6] =	sst s9;
	s0 =	simm.s32 @!p0 $0x0  }
0x12: {  	s1 =	sld [smem:$0x3F9C];
	s0 =	simm.s32 @p0 $0x1  }
0x13: {  	[smem:$0x3FB7] =	sst s0;
	s0 =	simm.s32 @!p1 $0x0  }
0x14: {  	s2 =	sld [smem:$0x3F9B];
	s0 =	simm.s32 @p1 $0x1  }
0x15: {  	[smem:$0x3FB8] =	sst s0;
	s0 =	simm.s32 @!p2 $0x0  }
0x16: {  	s3 =	sld [smem:$0x3FDB];
	s0 =	simm.s32 @p2 $0x1  }
0x17: {  	s4 =	simm.s32 $0x1BF5;
	[smem:$0x3FBA] =	sst s0  }
0x18: {  	s0 =	sld [smem:$0x3F9D];
	_ =	swait.ge [sflag:s4], $0x0  }
0x19: {  	s7 =	sld [smem:$0x3F9E]  }
0x1a: {  	s8 =	sadd.s32 $0xFFFFE003, lr  }
0x1b: {  	s9 =	sadd.s32 $0xFFFFFEF7, lr;
	s5 =	simm.s32 $0xFFFFFFFF;
	p2 =	slt.u32 s8, $0xFFFFF086  }
0x1c: {  	p1 =	slt.u32 s9, $0xF7A;
	s5 =	simm.s32 @!p2 $0x0  }
0x1d: {  	s5 =	simm.s32 @p1 $0x1;
	p0 =	seq.s32 s7, s2  }
0x1e: {  	s7 =	smul.u32 @!p0 $0xF7A, s2;
	p2 =	seq.s32 @!p0 s5, $0x0  }
0x1f: {  	s9 =	smul.u32 $0xF7A, s1;
	s8 =	simm.s32 @!p0 $0x1BF5;
	p2 =	por !p2, p0  }
0x20: {  	[sflag:s8] =	ssyncset.s32 @!p0 $0xFFFFF086;
	s6 =	sadd.s32 @!p0 s3, s7;
	s7 =	simm.s32 @!p0 $0x108  }
0x21: {  	s3 =	sadd.s32 s3, s9;
	s6 =	sadd.s32 @!p0 $0x88, s6;
	s7 =	simm.s32 @p2 $0x1082  }
0x22: {  	[simem:s7], [sflag:s8] =	dma.local @!p0 [hbm:s6], $0xF7A  }
0x23: {  	s9 =	sor.u32 $0xD0000000, s2;
	s6 =	simm.s32 $0x108;
	_ =	swait.ge @!p0 [sflag:s8], $0x0  }
0x24: {  	s3 =	sadd.s32 $0x88, s3;
	s6 =	simm.s32 @!p1 $0x1082;
	[sflag:s4] =	ssyncset.s32 $0xFFFFF086  }
0x25: {  	[simem:s6], [sflag:s4] =	dma.local [hbm:s3], $0xF7A  }
0x26: {  	[smem:$0x3F9E] =	sst s1;
	(tag) =	ssettag s2;
	_ =	strace s9  }
0x27: {  	s1 =	sld [smem:$0x3FAE]  }
0x28: {  	s2 =	sld [smem:$0x3FAF]  }
0x29: {  	s4 =	sld [smem:$0x3FB1]  }
0x2a: {  	p0 =	seq.s32 s5, $0x0;
	s5 =	sld [smem:$0x3FB2]  }
0x2b: {  	s6 =	sld [smem:$0x3FB3]  }
0x2c: {  	s7 =	sld [smem:$0x3FB4]  }
0x2d: {  	s3 =	simm.s32 $0x108;
	s8 =	sld [smem:$0x3FB5]  }
0x2e: {  	s3 =	simm.s32 @!p0 $0x1082;
	s9 =	sld [smem:$0x3FB6]  }
0x2f: {  	lr =	sadd.s32 s0, s3;
	s0 =	sld [smem:$0x3FAD]  }
0x30: {  	s3 =	sld [smem:$0x3FB0]  }
0x31: {  	[smem:$0x3FB9] =	sst s10  }
0x32: {  	s10 =	sld [smem:$0x3FB7];
	_ =	sdelay $0x3  }
0x33: {  	p0 =	seq.s32 s10, $0x1;
	s10 =	sld [smem:$0x3FB9];
	_ =	sdelay $0x3  }
0x34: {  	[smem:$0x3FB9] =	sst s10  }
0x35: {  	s10 =	sld [smem:$0x3FB8];
	_ =	sdelay $0x3  }
0x36: {  	p1 =	seq.s32 s10, $0x1;
	s10 =	sld [smem:$0x3FB9];
	_ =	sdelay $0x3  }
0x37: {  	[smem:$0x3FB9] =	sst s10  }
0x38: {  	s10 =	sld [smem:$0x3FBA]  }
0x39: {  	_ = 	snop;
	(pc) =	sbr.ind lr, $3  }
0x3a: {  	_ = 	snop  }
0x3b: {  	_ = 	snop  }
0x3c: {  	p2 =	seq.s32 s10, $0x1;
	s10 =	sld [smem:$0x3FB9]  }
0x3d: {  	_ =	shalt  }
0x3e: {  	_ =	shalt  }
0x3f: {  	_ =	shalt  }
0x40: {  	_ =	shalt  }
0x41: {  	_ =	shalt  }
0x42: {  	_ =	shalt  }
0x43: {  	_ =	shalt  }
0x44: {  	_ =	shalt  }
0x45: {  	_ =	shalt  }
0x46: {  	_ =	shalt  }
0x47: {  	_ =	shalt  }
0x48: {  	_ =	shalt  }
0x49: {  	_ =	shalt  }
0x4a: {  	_ =	shalt  }
0x4b: {  	_ =	shalt  }
0x4c: {  	_ =	shalt  }
0x4d: {  	_ =	shalt  }
0x4e: {  	_ =	shalt  }
0x4f: {  	_ =	shalt  }
0x50: {  	_ =	shalt  }
0x51: {  	_ =	shalt  }
0x52: {  	_ =	shalt  }
0x53: {  	_ =	shalt  }
0x54: {  	_ =	shalt  }
0x55: {  	_ =	shalt  }
0x56: {  	_ =	shalt  }
0x57: {  	_ =	shalt  }
0x58: {  	_ =	shalt  }
0x59: {  	_ =	shalt  }
0x5a: {  	_ =	shalt  }
0x5b: {  	_ =	shalt  }
0x5c: {  	_ =	shalt  }
0x5d: {  	_ =	shalt  }
0x5e: {  	_ =	shalt  }
0x5f: {  	_ =	shalt  }
0x60: {  	_ =	shalt  }
0x61: {  	_ =	shalt  }
0x62: {  	_ =	shalt  }
0x63: {  	_ =	shalt  }
0x64: {  	_ =	shalt  }
0x65: {  	_ =	shalt  }
0x66: {  	_ =	shalt  }
0x67: {  	_ =	shalt  }
0x68: {  	_ =	shalt  }
0x69: {  	_ =	shalt  }
0x6a: {  	_ =	shalt  }
0x6b: {  	_ =	shalt  }
0x6c: {  	_ =	shalt  }
0x6d: {  	_ =	shalt  }
0x6e: {  	_ =	shalt  }
0x6f: {  	_ =	shalt  }
0x70: {  	_ =	shalt  }
0x71: {  	_ =	shalt  }
0x72: {  	_ =	shalt  }
0x73: {  	_ =	shalt  }
0x74: {  	_ =	shalt  }
0x75: {  	_ =	shalt  }
0x76: {  	_ =	shalt  }
0x77: {  	_ =	shalt  }
0x78: {  	_ =	shalt  }
0x79: {  	_ =	shalt  }
0x7a: {  	_ =	shalt  }
0x7b: {  	_ =	shalt  }
0x7c: {  	_ =	shalt  }
0x7d: {  	_ =	shalt  }
0x7e: {  	_ =	shalt  }
0x7f: {  	_ =	shalt  }
0x80: {  	_ =	shalt  }
0x81: {  	_ =	shalt  }
0x82: {  	_ =	shalt  }
0x83: {  	_ =	shalt  }
0x84: {  	_ =	shalt  }
0x85: {  	_ =	shalt  }
0x86: {  	_ =	shalt  }
0x87: {  	_ =	shalt  }
.Lfunc_end0:
.L_simem_size_0:
called_computation_lowered:
.L_overlay_start_0:
0x88: {  	s2 =	sld [smem:$0x3FD9]  }
0x89: {  	s3 =	sld [smem:$0x3FFE];
	_ =	sdelay $0x1  }
0x8a: {  	s1 =	srdreg.scid  }
0x8b: {  	s0 =	sand.u32 $0x1, s1  }
0x8c: {  	s18 =	sshll.u32 s0, $0xA;
	s2 =	sadd.s32 s3, s2  }
0x8d: {  	s2 =	sadd.s32 s2, s18  }
0x8e: {  	[smem:$0x3FC5] =	sst s2  }
0x8f: {  	_ = 	snop  }
0x90: {  	s2 =	sld [smem:$0x3FC8]  }
0x91: {  	s19 =	sld [smem:$0x3FC7]  }
0x92: {  	s4 =	sld [smem:$0x3FD0];
	(tm) =	ssettm $0x1  }
0x93: {  	s5 =	sld [smem:$0x3FFB];
	_ =	sdelay $0x3  }
0x94: {  	_ =	strace s5  }
0x95: {  	s5 =	sld [smem:$0x3FFC];
	_ =	sdelay $0x3  }
0x96: {  	_ =	strace s5  }
0x97: {  	s5 =	sld [smem:$0x3FFD];
	_ =	sdelay $0x3  }
0x98: {  	_ =	strace s5  }
0x99: {  	_ =	strace $0x8FFFFFFF  }
0x9a: {  	s20 =	sld [smem:$0x3FDB];
	_ =	sdelay $0x1  }
0x9b: {  	s6 =	simm.s32 $_scs_section_size  }
0x9c: {  	s7 =	simm.s32 $_size__tile_overlayer_lowered;
	s8 =	simm.s32 $_tile_overlayer_lowered  }
0x9d: {  	s23 =	simm.s32 $0x1BFF;
	s22 =	sshll.u32 s8, $0x1;
	s5 =	sadd.s32 s6, s20  }
0x9e: {  	s9 =	simm.s32 $0x0;
	s21 =	sshll.u32 s7, $0x1;
	s7 =	sadd.s32 s22, s5  }
0x9f: {  	[timem:s9], [sflag:s23] =	dma.local [hbm:s7], s21  }
0xa0: {  	_ =	swait.ge [sflag:s23], s21  }
0xa1: {  	s6 =	ssub.s32 $0x0, s21;
	[sflag:s23] =	ssyncset.done $0x0  }
0xa2: {  	[sflag:s23] =	ssyncadd.s32 s6;
	_ =	sdelay $0x1  }
0xa3: {  	s24 =	simm.s32 $0x1B8B  }
0xa4: {  	_ =	swait.ge [sflag:s24], $0x1  }
0xa5: {  	[sflag:s24] =	ssyncset.done $0x0  }
0xa6: {  	s25 =	simm.s32 $0x1B8E;
	[sflag:s24] =	ssyncadd.s32 $0xFFFFFFFF  }
0xa7: {  	s26 =	simm.s32 $execute0_lowered;
	[smem:$0x3FD2] =	sst s25  }
0xa8: {  	s6 =	sshll.u32 s26, $0x1;
	_ =	strace $0x80000046;
	[dreg:$0x1] =	wrdreg $0xFFFFFFFF  }
0xa9: {  	s28 =	simm.s32 $_size_execute0_lowered;
	s5 =	sadd.s32 s5, s6;
	[dreg:$0x0] =	wrdreg $0x0  }
0xaa: {  	s6 =	sshll.u32 s28, $0x1;
	[dreg:$0x2] =	wrdreg s5  }
0xab: {  	[dreg:$0x3] =	wrdreg s6  }
0xac: {  	[dreg:$0x4] =	wrdreg $0xC0  }
0xad: {  	_ =	task [dreg:s9], $0x5FFFF  }
0xae: {  	[dreg:$0x1] =	wrdreg $0xFFFFFFFF  }
0xaf: {  	[dreg:$0x0] =	wrdreg $0x60  }
0xb0: {  	[dreg:$0x2] =	wrdreg s19  }
0xb1: {  	[dreg:$0x3] =	wrdreg s2  }
0xb2: {  	[dreg:$0x4] =	wrdreg s4  }
0xb3: {  	[dreg:$0x5] =	wrdreg $0x9  }
0xb4: {  	_ =	task.clear_ibuf [dreg:s9], $0x6FFFF;
	_ =	strace $0x90000046  }
0xb5: {  	s29 =	simm.s32 $0x9;
	_ =	strace $0x80000048  }
0xb6: {  	_ =	swait.ge [sflag:s29], $0x1  }
0xb7: {  	[sflag:s29] =	ssyncadd.s32 $0xFFFFFFFF  }
0xb8: {  	_ =	strace $0x90000048  }
0xb9: {  	_ =	sfence  }
0xba: {  	s30 =	sld [smem:$0x0];
	_ =	sdelay $0x2  }
0xbb: {  	s31 =	sshll.u32 s1, $0xD;
	s1 =	sshrl.u32 s1, $0x2  }
0xbc: {  	s3 =	sand.u32 $0x4000, s31;
	s1 =	sadd.s32 s1, s30  }
0xbd: {  	s0 =	sor.u32 s3, s0;
	s1 =	sshll.u32 s1, $0x11  }
0xbe: {  	s0 =	sor.u32 s1, s0  }
0xbf: {  	s0 =	sadd.s32 $0x8F2B, s0  }
0xc0: {  	[sflag:s0] =	ssyncadd.remote.s32 $0x1  }
0xc1: {  	_ =	sfence.sel $0xFFFF  }
0xc2: {  	[dreg:$0x0] =	wrdreg $0xFFFFFFFF;
	(pc) =	sbr.abs _section_cstart, $3  }
0xc3: {  	[dreg:$0x1] =	wrdreg $0xFFFFFFFF  }
0xc4: {  	_ =	task.clear_ibuf [dreg:s9], $0x2FFFF;
	_ =	strace $0x9FFFFFFF  }
0xc5: {  	(tm) =	ssettm $0x7FFFFFFF  }
tec
execute0_lowered:
.L_overlay_start_1:
0x0: {  	(tag) =	ssettag $0x1  }
0x1: {  	s3 =	rddreg [dreg:$0x0];
	s0 =	srdreg.scid  }
0x2: {  	s1 =	rddreg [dreg:$0x1];
	s2 =	stileid.u32  }
0x3: {  	s4 =	rddreg [dreg:$0x2];
	s7 =	simm.s32 $0x1880;
	s8 =	simm.s32 $0x2080  }
0x4: {  	s9 =	simm.s32 $0x2880;
	s10 =	simm.s32 $0x3080;
	s11 =	simm.s32 $0x3880  }
0x5: {  	s12 =	simm.s32 $0x4080;
	s5 =	sshll.u32 s2, $0x5;
	s2 =	simm.s32 $0x0  }
0x6: {  	s13 =	simm.s32 $0x4880;
	s14 =	simm.s32 $0x5080;
	[smem:$0x7FF] =	sst s2  }
0x7: {  	s15 =	simm.s32 $0x5880;
	_ =	strace $0x80000047;
	[dreg:$0x8] =	wrdreg s7  }
0x8: {  	s16 =	simm.s32 $0x6080;
	s17 =	simm.s32 $0x6880;
	[dreg:$0x9] =	wrdreg s8  }
0x9: {  	s18 =	simm.s32 $0x7080;
	s19 =	simm.s32 $0x7880;
	[dreg:$0xa] =	wrdreg s9  }
0xa: {  	s20 =	simm.s32 $0x8080;
	s21 =	simm.s32 $0x8880;
	[dreg:$0xb] =	wrdreg s10  }
0xb: {  	s22 =	simm.s32 $0x9080;
	s23 =	simm.s32 $0x9880;
	[dreg:$0xc] =	wrdreg s11  }
0xc: {  	s24 =	simm.s32 $0xA080;
	s25 =	simm.s32 $0xA880;
	[dreg:$0xd] =	wrdreg s12  }
0xd: {  	p0 =	por $0x0, $0x0;
	s28 =	simm.s32 $0xE080;
	[dreg:$0xe] =	wrdreg s13  }
0xe: {  	s29 =	simm.s32 $0xE880;
	s31 =	simm.s32 $0xF080;
	[dreg:$0xf] =	wrdreg s14  }
0xf: {  	s30 =	simm.s32 $0x1;
	s0 =	sand.u32 $0x1, s0;
	[dreg:$0x10] =	wrdreg s15  }
0x10: {  	s6 =	sshll.u32 s0, $0x4;
	s0 =	ssub.s32 $0x2, s0;
	[dreg:$0x11] =	wrdreg s16  }
0x11: {  	s5 =	sor.u32 s6, s5;
	s7 =	sadd.s32 $0x400, s3;
	[dreg:$0x12] =	wrdreg s17  }
0x12: {  	s8 =	sadd.s32 $0x500, s3;
	s9 =	sadd.s32 $0x600, s3;
	[dreg:$0x13] =	wrdreg s18  }
0x13: {  	s10 =	sadd.s32 $0x700, s3;
	s11 =	sadd.s32 $0x800, s3;
	[dreg:$0x14] =	wrdreg s19  }
0x14: {  	s12 =	sadd.s32 $0x900, s3;
	s13 =	sadd.s32 $0xA00, s3;
	[dreg:$0x15] =	wrdreg s20  }
0x15: {  	s14 =	sadd.s32 $0xB00, s3;
	s15 =	sadd.s32 $0xC00, s3;
	[dreg:$0x16] =	wrdreg s21  }
0x16: {  	s16 =	sadd.s32 $0xD00, s3;
	s17 =	sadd.s32 $0xE00, s3;
	[dreg:$0x17] =	wrdreg s22  }
0x17: {  	s19 =	sadd.s32 $0xF00, s3;
	[dreg:$0x18] =	wrdreg s23;
	s18 =	simm.s32 $0x2  }
0x18: {  	[dreg:$0x19] =	wrdreg s24;
	s20 =	simm.s32 $0x80;
	s6 =	sshrl.u32 s5, $0x3  }
0x19: {  	[dreg:$0x1a] =	wrdreg s25;
	s1 =	sadd.s32 s1, s6;
	s6 =	sshrl.u32 s0, $0x1  }
0x1a: {  	s23 =	simm.s32 $0xC080;
	s24 =	simm.s32 $0xC880;
	s0 =	ssub.s32 s0, s6  }
0x1b: {  	s25 =	simm.s32 $0xD080;
	s5 =	sshll.u32 s5, $0x9;
	s0 =	smax.u32 s0, $0x1  }
0x1c: {  	s26 =	sadd.s32 s4, s5;
	[dreg:$0x4] =	wrdreg s1;
	p1 =	sne.s32 s0, $0x1  }
.Ltmp0:
0x1d: {  	s4 =	simm.s32 $0x880;
	[dreg:$0x5] =	wrdreg s26;
	(pc) =	sbr.rel @!p1 .LBB2_1-.Ltmp0, $4  }
0x1e: {  	s22 =	simm.s32 $0xF880;
	s5 =	simm.s32 $0x1080;
	[dreg:$0x6] =	wrdreg s4  }
0x1f: {  	v1 =	vlaneseq.u32;
	[dreg:$0x7] =	wrdreg s5;
	s4 =	sadd.s32 $0x100, s3;
	s26 =	simm.s32 $0xB080  }
0x20: {  	vm0 =	vmmov $0xffff;
	v0 =	vshrl.u32 v1, $0x3;
	s5 =	sadd.s32 $0x200, s3;
	s6 =	sadd.s32 $0x300, s3;
	[dreg:$0x1b] =	wrdreg s26  }
0x21: {  	v2 =	vand.u32 $0x7, v1;
	v1 =	vor.u32 $0x8, v1;
	v0 =	vmul.u32 $0x8, v0;
	s26 =	simm.s32 $0xD880;
	s21 =	sadd.s32 $0xFFFFFFFF, s0;
	s0 =	rddreg [dreg:$0x4]  }
0x22: {  	[tilespmem:s2], [sflag:$0x2] =	stream.linear.gather [hbm4b:s0+s2], $0x10, $0x38;
	[tilespmem:$0x10080] =	vst v63  }
0x23: {  	_ =	swait.ge [sflag:s18], $0x10  }
0x24: {  	[sflag:s18] =	ssyncset.done $0x0  }
0x25: {  	[sflag:s18] =	ssyncadd.s32 $0xFFFFFFF0  }
0x26: {  	v3 =	vld [tilespmem:$0x0];
	_ =	sdelay $0x4  }
0x27: {  	v4 =	vshll.u32 v3, $0x5  }
0x28: {  	v3 =	vand.u32 $0x7, v3;
	v4 =	vand.u32 $0xFFFFFF00, v4  }
0x29: {  	v3 =	vor.u32 v3, v4  }
0x2a: {  	v4 =	vperm.xlane v3, v2;
	_ =	sdelay $0x1  }
0x2b: {  	v4 =	vadd.s32 v0, v4;
	_ =	sdelay $0x4  }
0x2c: {  	[tilespmem:s20], [sflag:$0x1] =	stream.indirect_vreg.gather [hbm4b:s3+s2], $0x80, v4, vm0, $0xb8;
	[tilespmem:$0x10080] =	vst v63  }
0x2d: {  	s0 =	rddreg [dreg:$0x6]  }
0x2e: {  	[tilespmem:s0], [sflag:$0x1] =	stream.indirect_vreg.gather [hbm4b:s4+s2], $0x80, v4, vm0, $0xb8;
	[tilespmem:$0x10080] =	vst v63  }
0x2f: {  	s1 =	rddreg [dreg:$0x7]  }
0x30: {  	[tilespmem:s1], [sflag:$0x1] =	stream.indirect_vreg.gather [hbm4b:s5+s2], $0x80, v4, vm0, $0xb8;
	[tilespmem:$0x10080] =	vst v63  }
0x31: {  	s0 =	rddreg [dreg:$0x8]  }
0x32: {  	[tilespmem:s0], [sflag:$0x1] =	stream.indirect_vreg.gather [hbm4b:s6+s2], $0x80, v4, vm0, $0xb8;
	[tilespmem:$0x10080] =	vst v63  }
0x33: {  	s1 =	rddreg [dreg:$0x9]  }
0x34: {  	[tilespmem:s1], [sflag:$0x1] =	stream.indirect_vreg.gather [hbm4b:s7+s2], $0x80, v4, vm0, $0xb8;
	[tilespmem:$0x10080] =	vst v63  }
0x35: {  	s0 =	rddreg [dreg:$0xa]  }
0x36: {  	[tilespmem:s0], [sflag:$0x1] =	stream.indirect_vreg.gather [hbm4b:s8+s2], $0x80, v4, vm0, $0xb8;
	[tilespmem:$0x10080] =	vst v63  }
0x37: {  	s1 =	rddreg [dreg:$0xb]  }
0x38: {  	[tilespmem:s1], [sflag:$0x1] =	stream.indirect_vreg.gather [hbm4b:s9+s2], $0x80, v4, vm0, $0xb8;
	[tilespmem:$0x10080] =	vst v63  }
0x39: {  	s0 =	rddreg [dreg:$0xc]  }
0x3a: {  	[tilespmem:s0], [sflag:$0x1] =	stream.indirect_vreg.gather [hbm4b:s10+s2], $0x80, v4, vm0, $0xb8;
	[tilespmem:$0x10080] =	vst v63  }
0x3b: {  	s1 =	rddreg [dreg:$0xd]  }
0x3c: {  	[tilespmem:s1], [sflag:$0x1] =	stream.indirect_vreg.gather [hbm4b:s11+s2], $0x80, v4, vm0, $0xb8;
	[tilespmem:$0x10080] =	vst v63  }
0x3d: {  	s0 =	rddreg [dreg:$0xe]  }
0x3e: {  	[tilespmem:s0], [sflag:$0x1] =	stream.indirect_vreg.gather [hbm4b:s12+s2], $0x80, v4, vm0, $0xb8;
	[tilespmem:$0x10080] =	vst v63  }
0x3f: {  	s1 =	rddreg [dreg:$0xf]  }
0x40: {  	[tilespmem:s1], [sflag:$0x1] =	stream.indirect_vreg.gather [hbm4b:s13+s2], $0x80, v4, vm0, $0xb8;
	[tilespmem:$0x10080] =	vst v63  }
0x41: {  	s0 =	rddreg [dreg:$0x10]  }
0x42: {  	[tilespmem:s0], [sflag:$0x1] =	stream.indirect_vreg.gather [hbm4b:s14+s2], $0x80, v4, vm0, $0xb8;
	[tilespmem:$0x10080] =	vst v63  }
0x43: {  	s1 =	rddreg [dreg:$0x11]  }
0x44: {  	[tilespmem:s1], [sflag:$0x1] =	stream.indirect_vreg.gather [hbm4b:s15+s2], $0x80, v4, vm0, $0xb8;
	[tilespmem:$0x10080] =	vst v63  }
0x45: {  	v3 =	vperm.xlane v3, v1;
	s0 =	rddreg [dreg:$0x12]  }
0x46: {  	[tilespmem:s0], [sflag:$0x1] =	stream.indirect_vreg.gather [hbm4b:s16+s2], $0x80, v4, vm0, $0xb8;
	[tilespmem:$0x10080] =	vst v63  }
0x47: {  	v3 =	vadd.s32 v0, v3;
	s1 =	rddreg [dreg:$0x13]  }
0x48: {  	[tilespmem:s1], [sflag:$0x1] =	stream.indirect_vreg.gather [hbm4b:s17+s2], $0x80, v4, vm0, $0xb8;
	[tilespmem:$0x10080] =	vst v63  }
0x49: {  	s0 =	rddreg [dreg:$0x14]  }
0x4a: {  	[tilespmem:s0], [sflag:$0x1] =	stream.indirect_vreg.gather [hbm4b:s19+s2], $0x80, v4, vm0, $0xb8;
	[tilespmem:$0x10080] =	vst v63  }
0x4b: {  	s1 =	rddreg [dreg:$0x15]  }
0x4c: {  	[tilespmem:s1], [sflag:$0x1] =	stream.indirect_vreg.gather [hbm4b:s3+s2], $0x80, v3, vm0, $0xb8;
	[tilespmem:$0x10080] =	vst v63  }
0x4d: {  	s0 =	rddreg [dreg:$0x16]  }
0x4e: {  	[tilespmem:s0], [sflag:$0x1] =	stream.indirect_vreg.gather [hbm4b:s4+s2], $0x80, v3, vm0, $0xb8;
	[tilespmem:$0x10080] =	vst v63  }
0x4f: {  	s1 =	rddreg [dreg:$0x17]  }
0x50: {  	[tilespmem:s1], [sflag:$0x1] =	stream.indirect_vreg.gather [hbm4b:s5+s2], $0x80, v3, vm0, $0xb8;
	[tilespmem:$0x10080] =	vst v63  }
0x51: {  	s0 =	rddreg [dreg:$0x18]  }
0x52: {  	[tilespmem:s0], [sflag:$0x1] =	stream.indirect_vreg.gather [hbm4b:s6+s2], $0x80, v3, vm0, $0xb8;
	[tilespmem:$0x10080] =	vst v63  }
0x53: {  	s1 =	rddreg [dreg:$0x19]  }
0x54: {  	[tilespmem:s1], [sflag:$0x1] =	stream.indirect_vreg.gather [hbm4b:s7+s2], $0x80, v3, vm0, $0xb8;
	[tilespmem:$0x10080] =	vst v63  }
0x55: {  	s0 =	rddreg [dreg:$0x1a]  }
0x56: {  	[tilespmem:s0], [sflag:$0x1] =	stream.indirect_vreg.gather [hbm4b:s8+s2], $0x80, v3, vm0, $0xb8;
	[tilespmem:$0x10080] =	vst v63  }
0x57: {  	s1 =	rddreg [dreg:$0x1b]  }
0x58: {  	[tilespmem:s1], [sflag:$0x1] =	stream.indirect_vreg.gather [hbm4b:s9+s2], $0x80, v3, vm0, $0xb8;
	[tilespmem:$0x10080] =	vst v63  }
0x59: {  	s1 =	simm.s32 $0xB880  }
0x5a: {  	[tilespmem:s1], [sflag:$0x1] =	stream.indirect_vreg.gather [hbm4b:s10+s2], $0x80, v3, vm0, $0xb8;
	[tilespmem:$0x10080] =	vst v63  }
0x5b: {  	_ = 	snop  }
0x5c: {  	[tilespmem:s23], [sflag:$0x1] =	stream.indirect_vreg.gather [hbm4b:s11+s2], $0x80, v3, vm0, $0xb8;
	[tilespmem:$0x10080] =	vst v63  }
0x5d: {  	_ = 	snop  }
0x5e: {  	[tilespmem:s24], [sflag:$0x1] =	stream.indirect_vreg.gather [hbm4b:s12+s2], $0x80, v3, vm0, $0xb8;
	[tilespmem:$0x10080] =	vst v63  }
0x5f: {  	_ = 	snop  }
0x60: {  	[tilespmem:s25], [sflag:$0x1] =	stream.indirect_vreg.gather [hbm4b:s13+s2], $0x80, v3, vm0, $0xb8;
	[tilespmem:$0x10080] =	vst v63  }
0x61: {  	_ = 	snop  }
0x62: {  	[tilespmem:s26], [sflag:$0x1] =	stream.indirect_vreg.gather [hbm4b:s14+s2], $0x80, v3, vm0, $0xb8;
	[tilespmem:$0x10080] =	vst v63  }
0x63: {  	_ = 	snop  }
0x64: {  	[tilespmem:s28], [sflag:$0x1] =	stream.indirect_vreg.gather [hbm4b:s15+s2], $0x80, v3, vm0, $0xb8;
	[tilespmem:$0x10080] =	vst v63  }
0x65: {  	_ = 	snop  }
0x66: {  	[tilespmem:s29], [sflag:$0x1] =	stream.indirect_vreg.gather [hbm4b:s16+s2], $0x80, v3, vm0, $0xb8;
	[tilespmem:$0x10080] =	vst v63  }
0x67: {  	_ = 	snop  }
0x68: {  	[tilespmem:s31], [sflag:$0x1] =	stream.indirect_vreg.gather [hbm4b:s17+s2], $0x80, v3, vm0, $0xb8;
	[tilespmem:$0x10080] =	vst v63  }
0x69: {  	_ = 	snop  }
0x6a: {  	[tilespmem:s22], [sflag:$0x1] =	stream.indirect_vreg.gather [hbm4b:s19+s2], $0x80, v3, vm0, $0xb8;
	[tilespmem:$0x10080] =	vst v63  }
0x6b: {  	p1 =	sne.s32 s21, $0x1;
	_ =	swait.ge [sflag:s30], $0x10000  }
.Ltmp1:
0x6c: {  	[sflag:s30] =	ssyncset.done $0x0;
	(pc) =	sbr.rel @!p1 .LBB2_3-.Ltmp1, $4  }
0x6d: {  	s1 =	rddreg [dreg:$0x5];
	[sflag:s30] =	ssyncadd.s32 $0xFFFF0000  }
0x6e: {  	[hbm4b:s1+s2] =	stream.linear.scatter [tilespmem:s20], [sflag:$0x2], $0x10000, $0x38;
	[tilespmem:$0x10080] =	vst v63  }
0x6f: {  	p0 =	por $0x1, $0x1;
	_ =	swait.ge [sflag:s18], $0x10000  }
0x70: {  	s1 =	sadd.s32 $0xFFFFFFFF, s21;
	s0 =	rddreg [dreg:$0x4];
	[sflag:s18] =	ssyncset.done $0x0  }
.LBB2_4:
0x71: {  	[sflag:s18] =	ssyncadd.s32 $0xFFFF0000  }
0x72: {  	[tilespmem:s2], [sflag:$0x2] =	stream.linear.gather [hbm4b:s0+s2], $0x10, $0x38;
	[tilespmem:$0x10080] =	vst v63  }
0x73: {  	_ =	swait.ge [sflag:s18], $0x10  }
0x74: {  	[sflag:s18] =	ssyncset.done $0x0  }
0x75: {  	[sflag:s18] =	ssyncadd.s32 $0xFFFFFFF0  }
0x76: {  	v3 =	vld [tilespmem:$0x0];
	_ =	sdelay $0x4  }
0x77: {  	v4 =	vshll.u32 v3, $0x5  }
0x78: {  	v3 =	vand.u32 $0x7, v3;
	v4 =	vand.u32 $0xFFFFFF00, v4  }
0x79: {  	v3 =	vor.u32 v3, v4  }
0x7a: {  	v4 =	vperm.xlane v3, v2;
	_ =	sdelay $0x1  }
0x7b: {  	v4 =	vadd.s32 v0, v4;
	_ =	sdelay $0x4  }
0x7c: {  	[tilespmem:s20], [sflag:$0x1] =	stream.indirect_vreg.gather [hbm4b:s3+s2], $0x80, v4, vm0, $0xb8;
	[tilespmem:$0x10080] =	vst v63  }
0x7d: {  	s0 =	rddreg [dreg:$0x6]  }
0x7e: {  	[tilespmem:s0], [sflag:$0x1] =	stream.indirect_vreg.gather [hbm4b:s4+s2], $0x80, v4, vm0, $0xb8;
	[tilespmem:$0x10080] =	vst v63  }
0x7f: {  	s21 =	rddreg [dreg:$0x7]  }
0x80: {  	[tilespmem:s21], [sflag:$0x1] =	stream.indirect_vreg.gather [hbm4b:s5+s2], $0x80, v4, vm0, $0xb8;
	[tilespmem:$0x10080] =	vst v63  }
0x81: {  	s0 =	rddreg [dreg:$0x8]  }
0x82: {  	[tilespmem:s0], [sflag:$0x1] =	stream.indirect_vreg.gather [hbm4b:s6+s2], $0x80, v4, vm0, $0xb8;
	[tilespmem:$0x10080] =	vst v63  }
0x83: {  	s21 =	rddreg [dreg:$0x9]  }
0x84: {  	[tilespmem:s21], [sflag:$0x1] =	stream.indirect_vreg.gather [hbm4b:s7+s2], $0x80, v4, vm0, $0xb8;
	[tilespmem:$0x10080] =	vst v63  }
0x85: {  	s0 =	rddreg [dreg:$0xa]  }
0x86: {  	[tilespmem:s0], [sflag:$0x1] =	stream.indirect_vreg.gather [hbm4b:s8+s2], $0x80, v4, vm0, $0xb8;
	[tilespmem:$0x10080] =	vst v63  }
0x87: {  	s21 =	rddreg [dreg:$0xb]  }
0x88: {  	[tilespmem:s21], [sflag:$0x1] =	stream.indirect_vreg.gather [hbm4b:s9+s2], $0x80, v4, vm0, $0xb8;
	[tilespmem:$0x10080] =	vst v63  }
0x89: {  	s0 =	rddreg [dreg:$0xc]  }
0x8a: {  	[tilespmem:s0], [sflag:$0x1] =	stream.indirect_vreg.gather [hbm4b:s10+s2], $0x80, v4, vm0, $0xb8;
	[tilespmem:$0x10080] =	vst v63  }
0x8b: {  	s21 =	rddreg [dreg:$0xd]  }
0x8c: {  	[tilespmem:s21], [sflag:$0x1] =	stream.indirect_vreg.gather [hbm4b:s11+s2], $0x80, v4, vm0, $0xb8;
	[tilespmem:$0x10080] =	vst v63  }
0x8d: {  	s0 =	rddreg [dreg:$0xe]  }
0x8e: {  	[tilespmem:s0], [sflag:$0x1] =	stream.indirect_vreg.gather [hbm4b:s12+s2], $0x80, v4, vm0, $0xb8;
	[tilespmem:$0x10080] =	vst v63  }
0x8f: {  	s21 =	rddreg [dreg:$0xf]  }
0x90: {  	[tilespmem:s21], [sflag:$0x1] =	stream.indirect_vreg.gather [hbm4b:s13+s2], $0x80, v4, vm0, $0xb8;
	[tilespmem:$0x10080] =	vst v63  }
0x91: {  	s0 =	rddreg [dreg:$0x10]  }
0x92: {  	[tilespmem:s0], [sflag:$0x1] =	stream.indirect_vreg.gather [hbm4b:s14+s2], $0x80, v4, vm0, $0xb8;
	[tilespmem:$0x10080] =	vst v63  }
0x93: {  	s21 =	rddreg [dreg:$0x11]  }
0x94: {  	[tilespmem:s21], [sflag:$0x1] =	stream.indirect_vreg.gather [hbm4b:s15+s2], $0x80, v4, vm0, $0xb8;
	[tilespmem:$0x10080] =	vst v63  }
0x95: {  	v3 =	vperm.xlane v3, v1;
	s0 =	rddreg [dreg:$0x12]  }
0x96: {  	[tilespmem:s0], [sflag:$0x1] =	stream.indirect_vreg.gather [hbm4b:s16+s2], $0x80, v4, vm0, $0xb8;
	[tilespmem:$0x10080] =	vst v63  }
0x97: {  	v3 =	vadd.s32 v0, v3;
	s21 =	rddreg [dreg:$0x13]  }
0x98: {  	[tilespmem:s21], [sflag:$0x1] =	stream.indirect_vreg.gather [hbm4b:s17+s2], $0x80, v4, vm0, $0xb8;
	[tilespmem:$0x10080] =	vst v63  }
0x99: {  	s0 =	rddreg [dreg:$0x14]  }
0x9a: {  	[tilespmem:s0], [sflag:$0x1] =	stream.indirect_vreg.gather [hbm4b:s19+s2], $0x80, v4, vm0, $0xb8;
	[tilespmem:$0x10080] =	vst v63  }
0x9b: {  	s21 =	rddreg [dreg:$0x15]  }
0x9c: {  	[tilespmem:s21], [sflag:$0x1] =	stream.indirect_vreg.gather [hbm4b:s3+s2], $0x80, v3, vm0, $0xb8;
	[tilespmem:$0x10080] =	vst v63  }
0x9d: {  	s0 =	rddreg [dreg:$0x16]  }
0x9e: {  	[tilespmem:s0], [sflag:$0x1] =	stream.indirect_vreg.gather [hbm4b:s4+s2], $0x80, v3, vm0, $0xb8;
	[tilespmem:$0x10080] =	vst v63  }
0x9f: {  	s21 =	rddreg [dreg:$0x17]  }
0xa0: {  	[tilespmem:s21], [sflag:$0x1] =	stream.indirect_vreg.gather [hbm4b:s5+s2], $0x80, v3, vm0, $0xb8;
	[tilespmem:$0x10080] =	vst v63  }
0xa1: {  	s0 =	rddreg [dreg:$0x18]  }
0xa2: {  	[tilespmem:s0], [sflag:$0x1] =	stream.indirect_vreg.gather [hbm4b:s6+s2], $0x80, v3, vm0, $0xb8;
	[tilespmem:$0x10080] =	vst v63  }
0xa3: {  	s21 =	rddreg [dreg:$0x19]  }
0xa4: {  	[tilespmem:s21], [sflag:$0x1] =	stream.indirect_vreg.gather [hbm4b:s7+s2], $0x80, v3, vm0, $0xb8;
	[tilespmem:$0x10080] =	vst v63  }
0xa5: {  	s0 =	rddreg [dreg:$0x1a]  }
0xa6: {  	[tilespmem:s0], [sflag:$0x1] =	stream.indirect_vreg.gather [hbm4b:s8+s2], $0x80, v3, vm0, $0xb8;
	[tilespmem:$0x10080] =	vst v63  }
0xa7: {  	s21 =	rddreg [dreg:$0x1b]  }
0xa8: {  	[tilespmem:s21], [sflag:$0x1] =	stream.indirect_vreg.gather [hbm4b:s9+s2], $0x80, v3, vm0, $0xb8;
	[tilespmem:$0x10080] =	vst v63  }
0xa9: {  	s21 =	simm.s32 $0xB880  }
0xaa: {  	[tilespmem:s21], [sflag:$0x1] =	stream.indirect_vreg.gather [hbm4b:s10+s2], $0x80, v3, vm0, $0xb8;
	[tilespmem:$0x10080] =	vst v63  }
0xab: {  	_ = 	snop  }
0xac: {  	[tilespmem:s23], [sflag:$0x1] =	stream.indirect_vreg.gather [hbm4b:s11+s2], $0x80, v3, vm0, $0xb8;
	[tilespmem:$0x10080] =	vst v63  }
0xad: {  	_ = 	snop  }
0xae: {  	[tilespmem:s24], [sflag:$0x1] =	stream.indirect_vreg.gather [hbm4b:s12+s2], $0x80, v3, vm0, $0xb8;
	[tilespmem:$0x10080] =	vst v63  }
0xaf: {  	_ = 	snop  }
0xb0: {  	[tilespmem:s25], [sflag:$0x1] =	stream.indirect_vreg.gather [hbm4b:s13+s2], $0x80, v3, vm0, $0xb8;
	[tilespmem:$0x10080] =	vst v63  }
0xb1: {  	_ = 	snop  }
0xb2: {  	[tilespmem:s26], [sflag:$0x1] =	stream.indirect_vreg.gather [hbm4b:s14+s2], $0x80, v3, vm0, $0xb8;
	[tilespmem:$0x10080] =	vst v63  }
0xb3: {  	_ = 	snop  }
0xb4: {  	[tilespmem:s28], [sflag:$0x1] =	stream.indirect_vreg.gather [hbm4b:s15+s2], $0x80, v3, vm0, $0xb8;
	[tilespmem:$0x10080] =	vst v63  }
0xb5: {  	_ = 	snop  }
0xb6: {  	[tilespmem:s29], [sflag:$0x1] =	stream.indirect_vreg.gather [hbm4b:s16+s2], $0x80, v3, vm0, $0xb8;
	[tilespmem:$0x10080] =	vst v63  }
0xb7: {  	_ = 	snop  }
0xb8: {  	[tilespmem:s31], [sflag:$0x1] =	stream.indirect_vreg.gather [hbm4b:s17+s2], $0x80, v3, vm0, $0xb8;
	[tilespmem:$0x10080] =	vst v63  }
0xb9: {  	_ = 	snop  }
0xba: {  	[tilespmem:s22], [sflag:$0x1] =	stream.indirect_vreg.gather [hbm4b:s19+s2], $0x80, v3, vm0, $0xb8;
	[tilespmem:$0x10080] =	vst v63  }
0xbb: {  	p1 =	sne.s32 s1, $0x1;
	_ =	swait.ge [sflag:s30], $0x10000  }
.Ltmp2:
0xbc: {  	[sflag:s30] =	ssyncset.done $0x0;
	(pc) =	sbr.rel @p1 .LBB2_4-.Ltmp2, $4  }
0xbd: {  	s21 =	rddreg [dreg:$0x5];
	[sflag:s30] =	ssyncadd.s32 $0xFFFF0000  }
0xbe: {  	[hbm4b:s21+s2] =	stream.linear.scatter [tilespmem:s20], [sflag:$0x2], $0x10000, $0x38;
	[tilespmem:$0x10080] =	vst v63  }
0xbf: {  	_ =	swait.ge [sflag:s18], $0x10000  }
0xc0: {  	s1 =	sadd.s32 $0xFFFFFFFF, s1;
	s0 =	rddreg [dreg:$0x4];
	[sflag:s18] =	ssyncset.done $0x0  }
0xc1: {  	s21 =	simm.s32 $0xF880;
	s31 =	simm.s32 $0xF080;
	s29 =	simm.s32 $0xE880  }
0xc2: {  	s28 =	simm.s32 $0xE080;
	s26 =	simm.s32 $0xD880;
	s25 =	simm.s32 $0xD080  }
0xc3: {  	s24 =	simm.s32 $0xC880;
	s23 =	simm.s32 $0xC080;
	s22 =	simm.s32 $0xB880  }
.LBB2_6:
0xc4: {  	[sflag:s18] =	ssyncadd.s32 @p0 $0xFFFF0000  }
0xc5: {  	[tilespmem:s2], [sflag:$0x2] =	stream.linear.gather [hbm4b:s0+s2], $0x10, $0x38;
	[tilespmem:$0x10080] =	vst v63  }
0xc6: {  	_ =	swait.ge [sflag:s18], $0x10  }
0xc7: {  	[sflag:s18] =	ssyncset.done $0x0  }
0xc8: {  	[sflag:s18] =	ssyncadd.s32 $0xFFFFFFF0  }
0xc9: {  	v3 =	vld [tilespmem:$0x0];
	_ =	sdelay $0x4  }
0xca: {  	v4 =	vshll.u32 v3, $0x5  }
0xcb: {  	v3 =	vand.u32 $0x7, v3;
	v4 =	vand.u32 $0xFFFFFF00, v4  }
0xcc: {  	v3 =	vor.u32 v3, v4  }
0xcd: {  	v2 =	vperm.xlane v3, v2;
	_ =	sdelay $0x1  }
0xce: {  	v2 =	vadd.s32 v0, v2;
	_ =	sdelay $0x4  }
0xcf: {  	[tilespmem:s20], [sflag:$0x1] =	stream.indirect_vreg.gather [hbm4b:s3+s2], $0x80, v2, vm0, $0xb8;
	[tilespmem:$0x10080] =	vst v63  }
0xd0: {  	s0 =	rddreg [dreg:$0x6]  }
0xd1: {  	[tilespmem:s0], [sflag:$0x1] =	stream.indirect_vreg.gather [hbm4b:s4+s2], $0x80, v2, vm0, $0xb8;
	[tilespmem:$0x10080] =	vst v63  }
0xd2: {  	s1 =	rddreg [dreg:$0x7]  }
0xd3: {  	[tilespmem:s1], [sflag:$0x1] =	stream.indirect_vreg.gather [hbm4b:s5+s2], $0x80, v2, vm0, $0xb8;
	[tilespmem:$0x10080] =	vst v63  }
0xd4: {  	s0 =	rddreg [dreg:$0x8]  }
0xd5: {  	[tilespmem:s0], [sflag:$0x1] =	stream.indirect_vreg.gather [hbm4b:s6+s2], $0x80, v2, vm0, $0xb8;
	[tilespmem:$0x10080] =	vst v63  }
0xd6: {  	s1 =	rddreg [dreg:$0x9]  }
0xd7: {  	[tilespmem:s1], [sflag:$0x1] =	stream.indirect_vreg.gather [hbm4b:s7+s2], $0x80, v2, vm0, $0xb8;
	[tilespmem:$0x10080] =	vst v63  }
0xd8: {  	s0 =	rddreg [dreg:$0xa]  }
0xd9: {  	[tilespmem:s0], [sflag:$0x1] =	stream.indirect_vreg.gather [hbm4b:s8+s2], $0x80, v2, vm0, $0xb8;
	[tilespmem:$0x10080] =	vst v63  }
0xda: {  	s1 =	rddreg [dreg:$0xb]  }
0xdb: {  	[tilespmem:s1], [sflag:$0x1] =	stream.indirect_vreg.gather [hbm4b:s9+s2], $0x80, v2, vm0, $0xb8;
	[tilespmem:$0x10080] =	vst v63  }
0xdc: {  	s0 =	rddreg [dreg:$0xc]  }
0xdd: {  	[tilespmem:s0], [sflag:$0x1] =	stream.indirect_vreg.gather [hbm4b:s10+s2], $0x80, v2, vm0, $0xb8;
	[tilespmem:$0x10080] =	vst v63  }
0xde: {  	s1 =	rddreg [dreg:$0xd]  }
0xdf: {  	[tilespmem:s1], [sflag:$0x1] =	stream.indirect_vreg.gather [hbm4b:s11+s2], $0x80, v2, vm0, $0xb8;
	[tilespmem:$0x10080] =	vst v63  }
0xe0: {  	s0 =	rddreg [dreg:$0xe]  }
0xe1: {  	[tilespmem:s0], [sflag:$0x1] =	stream.indirect_vreg.gather [hbm4b:s12+s2], $0x80, v2, vm0, $0xb8;
	[tilespmem:$0x10080] =	vst v63  }
0xe2: {  	s1 =	rddreg [dreg:$0xf]  }
0xe3: {  	[tilespmem:s1], [sflag:$0x1] =	stream.indirect_vreg.gather [hbm4b:s13+s2], $0x80, v2, vm0, $0xb8;
	[tilespmem:$0x10080] =	vst v63  }
0xe4: {  	s0 =	rddreg [dreg:$0x10]  }
0xe5: {  	[tilespmem:s0], [sflag:$0x1] =	stream.indirect_vreg.gather [hbm4b:s14+s2], $0x80, v2, vm0, $0xb8;
	[tilespmem:$0x10080] =	vst v63  }
0xe6: {  	s1 =	rddreg [dreg:$0x11]  }
0xe7: {  	[tilespmem:s1], [sflag:$0x1] =	stream.indirect_vreg.gather [hbm4b:s15+s2], $0x80, v2, vm0, $0xb8;
	[tilespmem:$0x10080] =	vst v63  }
0xe8: {  	v1 =	vperm.xlane v3, v1;
	s0 =	rddreg [dreg:$0x12]  }
0xe9: {  	[tilespmem:s0], [sflag:$0x1] =	stream.indirect_vreg.gather [hbm4b:s16+s2], $0x80, v2, vm0, $0xb8;
	[tilespmem:$0x10080] =	vst v63  }
0xea: {  	v63 =	vadd.s32 v0, v1;
	s1 =	rddreg [dreg:$0x13]  }
0xeb: {  	[tilespmem:s1], [sflag:$0x1] =	stream.indirect_vreg.gather [hbm4b:s17+s2], $0x80, v2, vm0, $0xb8;
	[tilespmem:$0x10080] =	vst v63  }
0xec: {  	s0 =	rddreg [dreg:$0x14]  }
0xed: {  	[tilespmem:s0], [sflag:$0x1] =	stream.indirect_vreg.gather [hbm4b:s19+s2], $0x80, v2, vm0, $0xb8;
	[tilespmem:$0x10080] =	vst v63  }
0xee: {  	s1 =	rddreg [dreg:$0x15]  }
0xef: {  	[tilespmem:s1], [sflag:$0x1] =	stream.indirect_vreg.gather [hbm4b:s3+s2], $0x80, v63, vm0, $0xb8;
	[tilespmem:$0x10080] =	vst v63  }
0xf0: {  	s0 =	rddreg [dreg:$0x16]  }
0xf1: {  	[tilespmem:s0], [sflag:$0x1] =	stream.indirect_vreg.gather [hbm4b:s4+s2], $0x80, v63, vm0, $0xb8;
	[tilespmem:$0x10080] =	vst v63  }
0xf2: {  	s3 =	rddreg [dreg:$0x17]  }
0xf3: {  	[tilespmem:s3], [sflag:$0x1] =	stream.indirect_vreg.gather [hbm4b:s5+s2], $0x80, v63, vm0, $0xb8;
	[tilespmem:$0x10080] =	vst v63  }
0xf4: {  	s4 =	rddreg [dreg:$0x18]  }
0xf5: {  	[tilespmem:s4], [sflag:$0x1] =	stream.indirect_vreg.gather [hbm4b:s6+s2], $0x80, v63, vm0, $0xb8;
	[tilespmem:$0x10080] =	vst v63  }
0xf6: {  	s5 =	rddreg [dreg:$0x19]  }
0xf7: {  	[tilespmem:s5], [sflag:$0x1] =	stream.indirect_vreg.gather [hbm4b:s7+s2], $0x80, v63, vm0, $0xb8;
	[tilespmem:$0x10080] =	vst v63  }
0xf8: {  	s6 =	rddreg [dreg:$0x1a]  }
0xf9: {  	[tilespmem:s6], [sflag:$0x1] =	stream.indirect_vreg.gather [hbm4b:s8+s2], $0x80, v63, vm0, $0xb8;
	[tilespmem:$0x10080] =	vst v63  }
0xfa: {  	s7 =	rddreg [dreg:$0x1b]  }
0xfb: {  	[tilespmem:s7], [sflag:$0x1] =	stream.indirect_vreg.gather [hbm4b:s9+s2], $0x80, v63, vm0, $0xb8;
	[tilespmem:$0x10080] =	vst v63  }
0xfc: {  	_ = 	snop  }
0xfd: {  	[tilespmem:s22], [sflag:$0x1] =	stream.indirect_vreg.gather [hbm4b:s10+s2], $0x80, v63, vm0, $0xb8;
	[tilespmem:$0x10080] =	vst v63  }
0xfe: {  	_ = 	snop  }
0xff: {  	[tilespmem:s23], [sflag:$0x1] =	stream.indirect_vreg.gather [hbm4b:s11+s2], $0x80, v63, vm0, $0xb8;
	[tilespmem:$0x10080] =	vst v63  }
0x100: {  	_ = 	snop  }
0x101: {  	[tilespmem:s24], [sflag:$0x1] =	stream.indirect_vreg.gather [hbm4b:s12+s2], $0x80, v63, vm0, $0xb8;
	[tilespmem:$0x10080] =	vst v63  }
0x102: {  	_ = 	snop  }
0x103: {  	[tilespmem:s25], [sflag:$0x1] =	stream.indirect_vreg.gather [hbm4b:s13+s2], $0x80, v63, vm0, $0xb8;
	[tilespmem:$0x10080] =	vst v63  }
0x104: {  	_ = 	snop  }
0x105: {  	[tilespmem:s26], [sflag:$0x1] =	stream.indirect_vreg.gather [hbm4b:s14+s2], $0x80, v63, vm0, $0xb8;
	[tilespmem:$0x10080] =	vst v63  }
0x106: {  	_ = 	snop  }
0x107: {  	[tilespmem:s28], [sflag:$0x1] =	stream.indirect_vreg.gather [hbm4b:s15+s2], $0x80, v63, vm0, $0xb8;
	[tilespmem:$0x10080] =	vst v63  }
0x108: {  	_ = 	snop  }
0x109: {  	[tilespmem:s29], [sflag:$0x1] =	stream.indirect_vreg.gather [hbm4b:s16+s2], $0x80, v63, vm0, $0xb8;
	[tilespmem:$0x10080] =	vst v63  }
0x10a: {  	_ = 	snop  }
0x10b: {  	[tilespmem:s31], [sflag:$0x1] =	stream.indirect_vreg.gather [hbm4b:s17+s2], $0x80, v63, vm0, $0xb8;
	[tilespmem:$0x10080] =	vst v63  }
0x10c: {  	_ = 	snop  }
0x10d: {  	[tilespmem:s21], [sflag:$0x1] =	stream.indirect_vreg.gather [hbm4b:s19+s2], $0x80, v63, vm0, $0xb8;
	[tilespmem:$0x10080] =	vst v63  }
0x10e: {  	_ =	swait.ge [sflag:s30], $0x10000  }
0x10f: {  	[sflag:s30] =	ssyncset.done $0x0  }
0x110: {  	s29 =	rddreg [dreg:$0x5];
	[sflag:s30] =	ssyncadd.s32 $0xFFFF0000  }
0x111: {  	[hbm4b:s29+s2] =	stream.linear.scatter [tilespmem:s20], [sflag:$0x2], $0x10000, $0x38;
	[tilespmem:$0x10080] =	vst v63  }
0x112: {  	_ =	swait.ge [sflag:s18], $0x10000  }
0x113: {  	[sflag:s18] =	ssyncset.done $0x0  }
0x114: {  	[sflag:s18] =	ssyncadd.s32 $0xFFFF0000  }
0x115: {  	_ =	sfence.sel $0x180000  }
0x116: {  	[bflag:$0x0] =	sbarrier.arrive $0xFFFF  }
0x117: {  	_ =	strace $0x90000047  }
0x118: {  	s31 =	stileid.u32;
	[bflag:$0x2] =	sbarrier.arrive $0xFFFF  }
0x119: {  	p0 =	sne.s32 s31, $0x0;
	s0 =	rddreg [dreg:$0x3]  }
0x11a: {  	s0 =	sadd.s32 @!p0 $0x100000, s0  }
0x11b: {  	[sflag:s0] =	ssyncadd.tile.s32 @!p0 $0x1;
	_ =	shalt  }
.LBB2_1:
.Ltmp3:
0x11c: {  	(pc) =	sbr.rel .LBB2_6-.Ltmp3, $4  }
0x11d: {  	_ = 	snop  }
0x11e: {  	s21 =	simm.s32 $0xF880;
	s31 =	simm.s32 $0xF080;
	s29 =	simm.s32 $0xE880  }
0x11f: {  	s28 =	simm.s32 $0xE080;
	s26 =	simm.s32 $0xD880;
	s25 =	simm.s32 $0xD080  }
0x120: {  	s24 =	simm.s32 $0xC880;
	s23 =	simm.s32 $0xC080;
	s22 =	simm.s32 $0xB880  }
.LBB2_3:
.Ltmp4:
0x121: {  	(pc) =	sbr.rel .LBB2_6-.Ltmp4, $4  }
0x122: {  	_ = 	snop  }
0x123: {  	s21 =	simm.s32 $0xF880;
	s31 =	simm.s32 $0xF080;
	s29 =	simm.s32 $0xE880  }
0x124: {  	s28 =	simm.s32 $0xE080;
	s26 =	simm.s32 $0xD880;
	s25 =	simm.s32 $0xD080  }
0x125: {  	s24 =	simm.s32 $0xC880;
	s23 =	simm.s32 $0xC080;
	s22 =	simm.s32 $0xB880  }
.Lfunc_end2:
_tile_overlayer_lowered:
.L_overlay_start_2:
0x126: {  	(tag) =	ssettag $0x2  }
0x127: {  	s0 =	rddreg [dreg:$0x0];
	s2 =	stileid.u32  }
0x128: {  	s1 =	rddreg [dreg:$0x1];
	p0 =	sne.s32 s2, $0x0  }
0x129: {  	s3 =	rddreg [dreg:$0x2];
	[bflag:$0x3] =	sbarrier.arrive $0xFFFF;
	s2 =	simm.s32 @!p0 $0x1C02  }
0x12a: {  	[timem:s3], [sflag:s2] =	dma.local @!p0 [hbm:s0], s1  }
0x12b: {  	s0 =	simm.s32 @!p0 $0x2  }
0x12c: {  	_ =	swait.ge @!p0 [sflag:s0], s1  }
0x12d: {  	s1 =	ssub.s32 @!p0 $0x0, s1;
	[sflag:s0] =	ssyncset.done @!p0 $0x0  }
0x12e: {  	[sflag:s0] =	ssyncadd.s32 @!p0 s1  }
0x12f: {  	[bflag:$0x3] =	sbarrier.arrive $0xFFFF  }
0x130: {  	_ =	shalt  }

</sc_bundles>
